<compile_context>
chip_gen: v7x
topology: tpu7x:2x2x1
jax: 0.10.2.dev20260603
libtpu: 0.0.44.dev20260713+nightly
codegen_flags: <defaults>
</compile_context>

<pallas_src>
import functools

import jax
import jax.numpy as jnp
from jax import lax
from jax.experimental import pallas as pl
from jax.experimental.pallas import tpu as pltpu
from jax.experimental.pallas import tpu_sc as plsc

_TB = 256
_KT = 4096


def _vq_argmin_body(x_ref, cbm2_ref, idx_ref, loss_ref, cc_scr, ii_scr, *,
                    n_ktiles, k_total):
    @pl.when(pl.program_id(0) == 0)
    def _prep():
        for kt in range(n_ktiles):
            cb = cbm2_ref[kt * _KT:(kt + 1) * _KT, :]
            ccv = 0.25 * jnp.sum(cb * cb, axis=1, keepdims=True)
            cc_scr[kt * _KT:(kt + 1) * _KT, :] = jnp.broadcast_to(
                ccv, (_KT, _TB))
        ii_scr[...] = lax.broadcasted_iota(jnp.int32, (_KT, _TB), 0)

    blkt = x_ref[0]
    xx = jnp.sum(blkt * blkt, axis=0, keepdims=True)
    blkt_r = blkt.astype(jnp.bfloat16).astype(jnp.float32)
    best_m = jnp.full((_TB,), jnp.inf, dtype=jnp.float32)
    best_loss = jnp.zeros((_TB,), dtype=jnp.float32)
    best_i = jnp.zeros((_TB,), dtype=jnp.int32)
    for kt in range(n_ktiles):
        cb = cbm2_ref[kt * _KT:(kt + 1) * _KT, :]
        mm2 = jnp.dot(cb, blkt_r, preferred_element_type=jnp.float32)
        dist = (xx + mm2) + cc_scr[kt * _KT:(kt + 1) * _KT, :]
        m = jnp.min(dist, axis=0)
        cand = jnp.min(jnp.where(dist == m[None, :], ii_scr[...], k_total),
                       axis=0)
        upd = m < best_m
        best_i = jnp.where(upd, cand + (kt * _KT), best_i)
        best_loss = jnp.where(upd, m, best_loss)
        best_m = jnp.where(upd, m.astype(jnp.bfloat16).astype(jnp.float32),
                           best_m)
    idx_ref[0, 0, :] = best_i
    part = jnp.sum(best_loss).reshape(1, 1)

    @pl.when(pl.program_id(0) == 0)
    def _init():
        loss_ref[...] = jnp.zeros_like(part)

    loss_ref[...] += part


def _compute_indices(x, cbm2, *, interpret=False):
    b, d, t = x.shape
    n = b * t
    k_total = cbm2.shape[0]
    nb = n // _TB
    tpb = t // _TB
    body = functools.partial(_vq_argmin_body, n_ktiles=k_total // _KT,
                             k_total=k_total)
    idx3, loss = pl.pallas_call(
        body,
        grid=(nb,),
        in_specs=[
            pl.BlockSpec((1, d, _TB), lambda i: (i // tpb, 0, i % tpb)),
            pl.BlockSpec((k_total, d), lambda i: (0, 0)),
        ],
        out_specs=[
            pl.BlockSpec((1, 1, _TB), lambda i: (i, 0, 0)),
            pl.BlockSpec((1, 1), lambda i: (0, 0)),
        ],
        out_shape=[
            jax.ShapeDtypeStruct((nb, 1, _TB), jnp.int32),
            jax.ShapeDtypeStruct((1, 1), jnp.float32),
        ],
        scratch_shapes=[
            pltpu.VMEM((k_total, _TB), jnp.float32),
            pltpu.VMEM((_KT, _TB), jnp.int32),
        ],
        interpret=interpret,
    )(x, cbm2)
    return idx3.reshape(n), loss[0, 0]


def _make_sc_gather(n, d):
    info = plsc.get_sparse_core_info()
    nw = info.num_cores * info.num_subcores
    assert n % (8 * nw) == 0 and d % info.num_lanes == 0
    b_per_w = n // nw
    mesh = plsc.VectorSubcoreMesh(core_axis_name="c", subcore_axis_name="s")

    @functools.partial(
        pl.kernel, mesh=mesh,
        compiler_params=pltpu.CompilerParams(use_tc_tiling_on_sc=False),
        out_type=jax.ShapeDtypeStruct((n, d), jnp.float32),
        scratch_types=[
            pltpu.VMEM((b_per_w,), jnp.int32),
            pltpu.VMEM((b_per_w, d), jnp.float32),
            pltpu.SemaphoreType.DMA,
        ],
    )
    def gather_k(idx_hbm, table_hbm, out_hbm, idx_v, rows_v, sem):
        wid = lax.axis_index("s") * info.num_cores + lax.axis_index("c")
        base = wid * b_per_w
        pltpu.sync_copy(idx_hbm.at[pl.ds(base, b_per_w)], idx_v)
        pltpu.async_copy(table_hbm.at[idx_v], rows_v, sem).wait()
        pltpu.sync_copy(rows_v, out_hbm.at[pl.ds(base, b_per_w)])

    return gather_k


def kernel(x, codebook):
    b, d, t = x.shape
    k_total = codebook.shape[0]
    n = b * t
    cbm2 = -2.0 * codebook

    indices, loss_sum = _compute_indices(x, cbm2)
    quant = _make_sc_gather(n, d)(indices, codebook)

    out = jnp.transpose(quant.reshape(b, t, d), (0, 2, 1))
    commit_loss = loss_sum / jnp.float32(n * d)
    return out, indices.reshape(b, t), commit_loss

# --- scband reference (transcript-rebuilt; emitter-appended) ---
"""Pipeline reference for scband-vector-quantize-9861244912400 (READ-ONLY COPY).

The authoritative reference and input builder live on the scoring server;
editing this copy changes nothing except your own understanding.
"""

import jax, jax.numpy as jnp
import numpy as np

B, D, T, K = 16, 32, 1024, 8192

def setup_inputs(seed: int = 0) -> dict:
    key = jax.random.key(seed)
    k1, k2 = jax.random.split(key)
    x = jax.random.normal(k1, (B, D, T), dtype=jnp.float32)
    codebook = jax.random.normal(k2, (K, D), dtype=jnp.float32)
    return {"x": x, "codebook": codebook}

def reference(x, codebook):
    # x: [B, D, T] -> permute to [B, T, D] as in the torch module
    xp = jnp.transpose(x, (0, 2, 1))
    flat = xp.reshape(-1, D)
    # squared L2 distance to every codebook entry
    dist = (jnp.sum(flat * flat, axis=1, keepdims=True)
            - 2.0 * (flat @ codebook.T)
            + jnp.sum(codebook * codebook, axis=1)[None, :])
    indices = jnp.argmin(dist, axis=-1)  # [B*T]
    quantized = jnp.take(codebook, indices, axis=0).reshape(xp.shape)  # [B, T, D]
    # commitment loss (codebook side stop-gradient, as in EMA-style VQ)
    commit_loss = jnp.mean((jax.lax.stop_gradient(quantized) - xp) ** 2)
    # straight-through estimator
    quantized_st = xp + jax.lax.stop_gradient(quantized - xp)
    # permute back to [B, D, T]
    out = jnp.transpose(quantized_st, (0, 2, 1))
    return out, indices.reshape(B, T), commit_loss

if __name__ == "__main__":
    import jax
    _d = setup_inputs()
    print(jax.jit(kernel)(*tuple(_d.values())))

</pallas_src>

<mosaic_0001>
#map = affine_map<(d0, d1) -> (0)>
#map1 = affine_map<(d0, d1) -> (0, 0)>
module attributes {stable_mosaic.version = 14 : i64} {
  func.func @gather_k(%arg0: i32, %arg1: i32, %arg2: memref<16384xi32, #tpu.memory_space<hbm>>, %arg3: memref<8192x32xf32, #tpu.memory_space<hbm>>, %arg4: memref<16384x32xf32, #tpu.memory_space<hbm>>, %arg5: memref<512xi32, #tpu.memory_space<vmem>>, %arg6: memref<512x32xf32, #tpu.memory_space<vmem>>, %arg7: memref<!tpu.dma_semaphore, #tpu.memory_space<semaphore_mem>>) attributes {dimension_semantics = [#tpu.dimension_semantics<core_parallel>, #tpu.dimension_semantics<subcore_parallel>], iteration_bounds = array<i64: 2, 16>, scalar_prefetch = 0 : i64, scratch_operands = 3 : i64, tpu.core_type = #tpu.core_type<sc_vector_subcore>, window_params = [{transform_indices = #map}, {transform_indices = #map1}, {transform_indices = #map1}]} {
    %mul3A = arith.constant 2 : i32
    %mul3A_0 = arith.muli %arg1, %mul3A : i32
    %add3A = arith.addi %mul3A_0, %arg0 : i32
    %mul3A_1 = arith.constant 512 : i32
    %mul3A_2 = arith.muli %add3A, %mul3A_1 : i32
    "tpu.region"() ({
      %run_scoped3A = tpu.sem_alloc : memref<!tpu.dma_semaphore, #tpu.memory_space<semaphore_mem>>
      %dma_start3A_7 = tpu.memref_slice %arg2[%mul3A_2] : memref<16384xi32, #tpu.memory_space<hbm>> -> memref<512xi32, #tpu.memory_space<hbm>>
      %dma_start3A_8 = tpu.memref_slice %arg2[%mul3A_2] : memref<16384xi32, #tpu.memory_space<hbm>> -> memref<512xi32, #tpu.memory_space<hbm>>
      tpu.enqueue_dma source(%dma_start3A_8 : memref<512xi32, #tpu.memory_space<hbm>>) target(%arg5 : memref<512xi32, #tpu.memory_space<vmem>>) target_semaphore(%run_scoped3A : memref<!tpu.dma_semaphore, #tpu.memory_space<semaphore_mem>>)
      %dma_wait3A_9 = tpu.memref_slice %arg2[%mul3A_2] : memref<16384xi32, #tpu.memory_space<hbm>> -> memref<512xi32, #tpu.memory_space<hbm>>
      %dma_wait3A_10 = tpu.memref_slice %arg2[%mul3A_2] : memref<16384xi32, #tpu.memory_space<hbm>> -> memref<512xi32, #tpu.memory_space<hbm>>
      tpu.wait_dma2 semaphore(%run_scoped3A : memref<!tpu.dma_semaphore, #tpu.memory_space<semaphore_mem>>) src(%dma_wait3A_10 : memref<512xi32, #tpu.memory_space<hbm>>) dst(%arg5 : memref<512xi32, #tpu.memory_space<vmem>>)
      tpu.yield
    }) : () -> ()
    %dma_start3A = arith.constant 0 : i32
    %dma_start3A_3 = arith.constant 0 : i32
    %dma_start3A_4 = tpu.memref_slice %arg3[%dma_start3A, %dma_start3A_3] : memref<8192x32xf32, #tpu.memory_space<hbm>> -> memref<8192x32xf32, #tpu.memory_space<hbm>>
    tpu.enqueue_indirect_dma source(%dma_start3A_4 : memref<8192x32xf32, #tpu.memory_space<hbm>>) target(%arg6 : memref<512x32xf32, #tpu.memory_space<vmem>>) offsets(%arg5 : memref<512xi32, #tpu.memory_space<vmem>>) semaphore(%arg7 : memref<!tpu.dma_semaphore, #tpu.memory_space<semaphore_mem>>)
    %dma_wait3A = arith.constant 0 : i32
    %dma_wait3A_5 = arith.constant 0 : i32
    %dma_wait3A_6 = tpu.memref_slice %arg3[%dma_wait3A, %dma_wait3A_5] : memref<8192x32xf32, #tpu.memory_space<hbm>> -> memref<8192x32xf32, #tpu.memory_space<hbm>>
    tpu.wait_indirect_dma semaphore(%arg7 : memref<!tpu.dma_semaphore, #tpu.memory_space<semaphore_mem>>) src(%dma_wait3A_6 : memref<8192x32xf32, #tpu.memory_space<hbm>>) dst(%arg6 : memref<512x32xf32, #tpu.memory_space<vmem>>)
    "tpu.region"() ({
      %run_scoped3A = tpu.sem_alloc : memref<!tpu.dma_semaphore, #tpu.memory_space<semaphore_mem>>
      %dma_start3A_7 = arith.constant 0 : i32
      %dma_start3A_8 = tpu.memref_slice %arg4[%mul3A_2, %dma_start3A_7] : memref<16384x32xf32, #tpu.memory_space<hbm>> -> memref<512x32xf32, #tpu.memory_space<hbm>>
      %dma_start3A_9 = arith.constant 0 : i32
      %dma_start3A_10 = tpu.memref_slice %arg4[%mul3A_2, %dma_start3A_9] : memref<16384x32xf32, #tpu.memory_space<hbm>> -> memref<512x32xf32, #tpu.memory_space<hbm>>
      tpu.enqueue_dma source(%arg6 : memref<512x32xf32, #tpu.memory_space<vmem>>) target(%dma_start3A_10 : memref<512x32xf32, #tpu.memory_space<hbm>>) target_semaphore(%run_scoped3A : memref<!tpu.dma_semaphore, #tpu.memory_space<semaphore_mem>>)
      %dma_wait3A_11 = arith.constant 0 : i32
      %dma_wait3A_12 = tpu.memref_slice %arg4[%mul3A_2, %dma_wait3A_11] : memref<16384x32xf32, #tpu.memory_space<hbm>> -> memref<512x32xf32, #tpu.memory_space<hbm>>
      %dma_wait3A_13 = arith.constant 0 : i32
      %dma_wait3A_14 = tpu.memref_slice %arg4[%mul3A_2, %dma_wait3A_13] : memref<16384x32xf32, #tpu.memory_space<hbm>> -> memref<512x32xf32, #tpu.memory_space<hbm>>
      tpu.wait_dma2 semaphore(%run_scoped3A : memref<!tpu.dma_semaphore, #tpu.memory_space<semaphore_mem>>) src(%arg6 : memref<512x32xf32, #tpu.memory_space<vmem>>) dst(%dma_wait3A_14 : memref<512x32xf32, #tpu.memory_space<hbm>>)
      tpu.yield
    }) : () -> ()
    return
  }
}

module attributes {stable_mosaic.version = 14 : i64} {
  func.func @_vq_argmin_body(%arg0: i32, %arg1: memref<1x32x256xf32, #tpu.memory_space<vmem>>, %arg2: memref<8192x32xf32, #tpu.memory_space<vmem>>, %arg3: memref<1x1x256xi32, #tpu.memory_space<vmem>>, %arg4: memref<1x1xf32, #tpu.memory_space<vmem>>, %arg5: memref<8192x256xf32, #tpu.memory_space<vmem>>, %arg6: memref<4096x256xi32, #tpu.memory_space<vmem>>) attributes {dimension_semantics = [#tpu.dimension_semantics<arbitrary>], iteration_bounds = array<i64: 64>, scalar_prefetch = 0 : i64, scratch_operands = 2 : i64, tpu.core_type = #tpu.core_type<tc>, window_params = [{transform_indices = @transform_0, window_bounds = array<i64: 1, 32, 256>}, {pipeline_mode = #tpu.pipeline_mode<synchronous>, transform_indices = @transform_1, window_bounds = array<i64: 8192, 32>}, {transform_indices = @transform_2, window_bounds = array<i64: 1, 1, 256>}, {pipeline_mode = #tpu.pipeline_mode<synchronous>, transform_indices = @transform_3, window_bounds = array<i64: 1, 1>}]} {
    %eq3A = arith.constant 0 : i32
    %eq3A_0 = arith.cmpi eq, %arg0, %eq3A : i32
    %convert_element_type3A = arith.extui %eq3A_0 : i1 to i32
    %cond3A = arith.constant 0 : i32
    %cond3A_1 = arith.cmpi ne, %convert_element_type3A, %cond3A : i32
    scf.if %cond3A_1 {
      %get3A_94 = arith.constant 0 : index
      %get3A_95 = arith.constant 0 : index
      %get3A_96 = vector.load %arg2[%get3A_94, %get3A_95] : memref<8192x32xf32, #tpu.memory_space<vmem>>, vector<4096x32xf32>
      %mul3A_97 = arith.mulf %get3A_96, %get3A_96 : vector<4096x32xf32>
      %reduce_sum3A_98 = arith.constant dense<0.000000e+00> : vector<4096xf32>
      %reduce_sum3A_99 = vector.multi_reduction <add>, %mul3A_97, %reduce_sum3A_98 [1] : vector<4096x32xf32> to vector<4096xf32>
      %broadcast_in_dim3A_100 = vector.shape_cast %reduce_sum3A_99 : vector<4096xf32> to vector<4096x1xf32>
      %mul3A_101 = arith.constant 2.500000e-01 : f32
      %mul3A_102 = vector.broadcast %mul3A_101 : f32 to vector<4096x1xf32>
      %mul3A_103 = arith.mulf %mul3A_102, %broadcast_in_dim3A_100 : vector<4096x1xf32>
      %broadcast_in_dim3A_104 = vector.shape_cast %mul3A_103 : vector<4096x1xf32> to vector<4096x1xf32>
      %broadcast_in_dim3A_105 = vector.broadcast %broadcast_in_dim3A_104 : vector<4096x1xf32> to vector<4096x256xf32>
      %swap3A_106 = arith.constant 0 : index
      %swap3A_107 = arith.constant 0 : index
      %swap3A_108 = vector.load %arg5[%swap3A_106, %swap3A_107] : memref<8192x256xf32, #tpu.memory_space<vmem>>, vector<4096x256xf32>
      tpu.vector_store %arg5[%swap3A_106, %swap3A_107], %broadcast_in_dim3A_105 {strides = array<i32>} : memref<8192x256xf32, #tpu.memory_space<vmem>>, vector<4096x256xf32>,
      %get3A_109 = arith.constant 4096 : index
      %get3A_110 = arith.constant 0 : index
      %get3A_111 = vector.load %arg2[%get3A_109, %get3A_110] : memref<8192x32xf32, #tpu.memory_space<vmem>>, vector<4096x32xf32>
      %mul3A_112 = arith.mulf %get3A_111, %get3A_111 : vector<4096x32xf32>
      %reduce_sum3A_113 = arith.constant dense<0.000000e+00> : vector<4096xf32>
      %reduce_sum3A_114 = vector.multi_reduction <add>, %mul3A_112, %reduce_sum3A_113 [1] : vector<4096x32xf32> to vector<4096xf32>
      %broadcast_in_dim3A_115 = vector.shape_cast %reduce_sum3A_114 : vector<4096xf32> to vector<4096x1xf32>
      %mul3A_116 = arith.constant 2.500000e-01 : f32
      %mul3A_117 = vector.broadcast %mul3A_116 : f32 to vector<4096x1xf32>
      %mul3A_118 = arith.mulf %mul3A_117, %broadcast_in_dim3A_115 : vector<4096x1xf32>
      %broadcast_in_dim3A_119 = vector.shape_cast %mul3A_118 : vector<4096x1xf32> to vector<4096x1xf32>
      %broadcast_in_dim3A_120 = vector.broadcast %broadcast_in_dim3A_119 : vector<4096x1xf32> to vector<4096x256xf32>
      %swap3A_121 = arith.constant 4096 : index
      %swap3A_122 = arith.constant 0 : index
      %swap3A_123 = vector.load %arg5[%swap3A_121, %swap3A_122] : memref<8192x256xf32, #tpu.memory_space<vmem>>, vector<4096x256xf32>
      tpu.vector_store %arg5[%swap3A_121, %swap3A_122], %broadcast_in_dim3A_120 {strides = array<i32>} : memref<8192x256xf32, #tpu.memory_space<vmem>>, vector<4096x256xf32>,
      %iota3A = tpu.iota {dimensions = array<i32: 0>} : vector<4096x256xi32>
      %swap3A_124 = arith.constant 0 : index
      %swap3A_125 = arith.constant 0 : index
      %swap3A_126 = vector.load %arg6[%swap3A_124, %swap3A_125] : memref<4096x256xi32, #tpu.memory_space<vmem>>, vector<4096x256xi32>
      tpu.vector_store %arg6[%swap3A_124, %swap3A_125], %iota3A {strides = array<i32>} : memref<4096x256xi32, #tpu.memory_space<vmem>>, vector<4096x256xi32>,
    } else {
    }
    %get3A = arith.constant 0 : index
    %get3A_2 = arith.constant 0 : index
    %get3A_3 = arith.constant 0 : index
    %get3A_4 = vector.load %arg1[%get3A, %get3A_2, %get3A_3] : memref<1x32x256xf32, #tpu.memory_space<vmem>>, vector<1x32x256xf32>
    %get3A_5 = vector.shape_cast %get3A_4 : vector<1x32x256xf32> to vector<32x256xf32>
    %mul3A = arith.mulf %get3A_5, %get3A_5 : vector<32x256xf32>
    %reduce_sum3A = arith.constant dense<0.000000e+00> : vector<256xf32>
    %reduce_sum3A_6 = vector.multi_reduction <add>, %mul3A, %reduce_sum3A [0] : vector<32x256xf32> to vector<256xf32>
    %broadcast_in_dim3A = vector.shape_cast %reduce_sum3A_6 : vector<256xf32> to vector<1x256xf32>
    %convert_element_type3A_7 = arith.truncf %get3A_5 : vector<32x256xf32> to vector<32x256xbf16>
    %convert_element_type3A_8 = arith.extf %convert_element_type3A_7 : vector<32x256xbf16> to vector<32x256xf32>
    %broadcast_in_dim3A_9 = arith.constant 0x7F800000 : f32
    %broadcast_in_dim3A_10 = vector.broadcast %broadcast_in_dim3A_9 : f32 to vector<256xf32>
    %broadcast_in_dim3A_11 = arith.constant 0.000000e+00 : f32
    %broadcast_in_dim3A_12 = vector.broadcast %broadcast_in_dim3A_11 : f32 to vector<256xf32>
    %broadcast_in_dim3A_13 = arith.constant 0 : i32
    %broadcast_in_dim3A_14 = vector.broadcast %broadcast_in_dim3A_13 : i32 to vector<256xi32>
    %get3A_15 = arith.constant 0 : index
    %get3A_16 = arith.constant 0 : index
    %get3A_17 = vector.load %arg2[%get3A_15, %get3A_16] : memref<8192x32xf32, #tpu.memory_space<vmem>>, vector<4096x32xf32>
    %dot_general3A = arith.constant dense<0.000000e+00> : vector<4096x256xf32>
    %dot_general3A_18 = tpu.matmul %get3A_17, %convert_element_type3A_8, %dot_general3A {dimension_numbers = #tpu.dot_dimension_numbers<[1], [0], [0], [1], [0, 0, 1, 1], [], []>, transpose_lhs_hint = false} : vector<4096x32xf32>, vector<32x256xf32>, vector<4096x256xf32> -> vector<4096x256xf32>
    %add3A = vector.broadcast %broadcast_in_dim3A : vector<1x256xf32> to vector<4096x256xf32>
    %add3A_19 = arith.addf %add3A, %dot_general3A_18 : vector<4096x256xf32>
    %get3A_20 = arith.constant 0 : index
    %get3A_21 = arith.constant 0 : index
    %get3A_22 = vector.load %arg5[%get3A_20, %get3A_21] : memref<8192x256xf32, #tpu.memory_space<vmem>>, vector<4096x256xf32>
    %add3A_23 = arith.addf %add3A_19, %get3A_22 : vector<4096x256xf32>
    %reduce_min3A = arith.constant dense<0x7F800000> : vector<256xf32>
    %reduce_min3A_24 = vector.multi_reduction <minimumf>, %add3A_23, %reduce_min3A [0] : vector<4096x256xf32> to vector<256xf32>
    %broadcast_in_dim3A_25 = vector.shape_cast %reduce_min3A_24 : vector<256xf32> to vector<1x256xf32>
    %eq3A_26 = vector.broadcast %broadcast_in_dim3A_25 : vector<1x256xf32> to vector<4096x256xf32>
    %eq3A_27 = arith.cmpf oeq, %add3A_23, %eq3A_26 : vector<4096x256xf32>
    %get3A_28 = arith.constant 0 : index
    %get3A_29 = arith.constant 0 : index
    %get3A_30 = vector.load %arg6[%get3A_28, %get3A_29] : memref<4096x256xi32, #tpu.memory_space<vmem>>, vector<4096x256xi32>
    %jit3A = arith.constant 8192 : i32
    %broadcast_in_dim3A_31 = vector.broadcast %jit3A : i32 to vector<4096x256xi32>
    %select_n3A = arith.select %eq3A_27, %get3A_30, %broadcast_in_dim3A_31 : vector<4096x256xi1>, vector<4096x256xi32>
    %reduce_min3A_32 = arith.constant dense<2147483647> : vector<256xi32>
    %reduce_min3A_33 = vector.multi_reduction <minsi>, %select_n3A, %reduce_min3A_32 [0] : vector<4096x256xi32> to vector<256xi32>
    %lt3A = arith.cmpf olt, %reduce_min3A_24, %broadcast_in_dim3A_10 : vector<256xf32>
    %add3A_34 = arith.constant 0 : i32
    %add3A_35 = vector.broadcast %add3A_34 : i32 to vector<256xi32>
    %add3A_36 = arith.addi %reduce_min3A_33, %add3A_35 : vector<256xi32>
    %select_n3A_37 = arith.select %lt3A, %add3A_36, %broadcast_in_dim3A_14 : vector<256xi1>, vector<256xi32>
    %select_n3A_38 = arith.select %lt3A, %reduce_min3A_24, %broadcast_in_dim3A_12 : vector<256xi1>, vector<256xf32>
    %convert_element_type3A_39 = arith.truncf %reduce_min3A_24 : vector<256xf32> to vector<256xbf16>
    %convert_element_type3A_40 = arith.extf %convert_element_type3A_39 : vector<256xbf16> to vector<256xf32>
    %select_n3A_41 = arith.select %lt3A, %convert_element_type3A_40, %broadcast_in_dim3A_10 : vector<256xi1>, vector<256xf32>
    %get3A_42 = arith.constant 4096 : index
    %get3A_43 = arith.constant 0 : index
    %get3A_44 = vector.load %arg2[%get3A_42, %get3A_43] : memref<8192x32xf32, #tpu.memory_space<vmem>>, vector<4096x32xf32>
    %dot_general3A_45 = arith.constant dense<0.000000e+00> : vector<4096x256xf32>
    %dot_general3A_46 = tpu.matmul %get3A_44, %convert_element_type3A_8, %dot_general3A_45 {dimension_numbers = #tpu.dot_dimension_numbers<[1], [0], [0], [1], [0, 0, 1, 1], [], []>, transpose_lhs_hint = false} : vector<4096x32xf32>, vector<32x256xf32>, vector<4096x256xf32> -> vector<4096x256xf32>
    %add3A_47 = vector.broadcast %broadcast_in_dim3A : vector<1x256xf32> to vector<4096x256xf32>
    %add3A_48 = arith.addf %add3A_47, %dot_general3A_46 : vector<4096x256xf32>
    %get3A_49 = arith.constant 4096 : index
    %get3A_50 = arith.constant 0 : index
    %get3A_51 = vector.load %arg5[%get3A_49, %get3A_50] : memref<8192x256xf32, #tpu.memory_space<vmem>>, vector<4096x256xf32>
    %add3A_52 = arith.addf %add3A_48, %get3A_51 : vector<4096x256xf32>
    %reduce_min3A_53 = arith.constant dense<0x7F800000> : vector<256xf32>
    %reduce_min3A_54 = vector.multi_reduction <minimumf>, %add3A_52, %reduce_min3A_53 [0] : vector<4096x256xf32> to vector<256xf32>
    %broadcast_in_dim3A_55 = vector.shape_cast %reduce_min3A_54 : vector<256xf32> to vector<1x256xf32>
    %eq3A_56 = vector.broadcast %broadcast_in_dim3A_55 : vector<1x256xf32> to vector<4096x256xf32>
    %eq3A_57 = arith.cmpf oeq, %add3A_52, %eq3A_56 : vector<4096x256xf32>
    %get3A_58 = arith.constant 0 : index
    %get3A_59 = arith.constant 0 : index
    %get3A_60 = vector.load %arg6[%get3A_58, %get3A_59] : memref<4096x256xi32, #tpu.memory_space<vmem>>, vector<4096x256xi32>
    %jit3A_61 = arith.constant 8192 : i32
    %broadcast_in_dim3A_62 = vector.broadcast %jit3A_61 : i32 to vector<4096x256xi32>
    %select_n3A_63 = arith.select %eq3A_57, %get3A_60, %broadcast_in_dim3A_62 : vector<4096x256xi1>, vector<4096x256xi32>
    %reduce_min3A_64 = arith.constant dense<2147483647> : vector<256xi32>
    %reduce_min3A_65 = vector.multi_reduction <minsi>, %select_n3A_63, %reduce_min3A_64 [0] : vector<4096x256xi32> to vector<256xi32>
    %lt3A_66 = arith.cmpf olt, %reduce_min3A_54, %select_n3A_41 : vector<256xf32>
    %add3A_67 = arith.constant 4096 : i32
    %add3A_68 = vector.broadcast %add3A_67 : i32 to vector<256xi32>
    %add3A_69 = arith.addi %reduce_min3A_65, %add3A_68 : vector<256xi32>
    %select_n3A_70 = arith.select %lt3A_66, %add3A_69, %select_n3A_37 : vector<256xi1>, vector<256xi32>
    %select_n3A_71 = arith.select %lt3A_66, %reduce_min3A_54, %select_n3A_38 : vector<256xi1>, vector<256xf32>
    %swap3A = arith.constant 0 : index
    %swap3A_72 = arith.constant 0 : index
    %swap3A_73 = arith.constant 0 : index
    %swap3A_74 = vector.load %arg3[%swap3A, %swap3A_72, %swap3A_73] : memref<1x1x256xi32, #tpu.memory_space<vmem>>, vector<1x1x256xi32>
    %swap3A_75 = vector.shape_cast %swap3A_74 : vector<1x1x256xi32> to vector<256xi32>
    %swap3A_76 = vector.shape_cast %select_n3A_70 : vector<256xi32> to vector<1x1x256xi32>
    tpu.vector_store %arg3[%swap3A, %swap3A_72, %swap3A_73], %swap3A_76 {strides = array<i32>} : memref<1x1x256xi32, #tpu.memory_space<vmem>>, vector<1x1x256xi32>,
    %reduce_sum3A_77 = vector.shape_cast %select_n3A_71 : vector<256xf32> to vector<1x256xf32>
    %reduce_sum3A_78 = arith.constant dense<0.000000e+00> : vector<1xf32>
    %reduce_sum3A_79 = vector.multi_reduction <add>, %reduce_sum3A_77, %reduce_sum3A_78 [1] : vector<1x256xf32> to vector<1xf32>
    %reduce_sum3A_80 = vector.shape_cast %reduce_sum3A_79 : vector<1xf32> to vector<1x1xf32>
    %reduce_sum3A_81 = vector.extract %reduce_sum3A_80[0, 0] : f32 from vector<1x1xf32>
    %reshape3A = vector.broadcast %reduce_sum3A_81 : f32 to vector<1x1xf32>
    %eq3A_82 = arith.constant 0 : i32
    %eq3A_83 = arith.cmpi eq, %arg0, %eq3A_82 : i32
    %convert_element_type3A_84 = arith.extui %eq3A_83 : i1 to i32
    %cond3A_85 = arith.constant 0 : i32
    %cond3A_86 = arith.cmpi ne, %convert_element_type3A_84, %cond3A_85 : i32
    scf.if %cond3A_86 {
      %broadcast_in_dim3A_94 = arith.constant 0.000000e+00 : f32
      %broadcast_in_dim3A_95 = vector.broadcast %broadcast_in_dim3A_94 : f32 to vector<1x1xf32>
      %swap3A_96 = arith.constant 0 : index
      %swap3A_97 = arith.constant 0 : index
      %swap3A_98 = vector.load %arg4[%swap3A_96, %swap3A_97] : memref<1x1xf32, #tpu.memory_space<vmem>>, vector<1x1xf32>
      tpu.vector_store %arg4[%swap3A_96, %swap3A_97], %broadcast_in_dim3A_95 {strides = array<i32>} : memref<1x1xf32, #tpu.memory_space<vmem>>, vector<1x1xf32>,
    } else {
    }
    %get3A_87 = arith.constant 0 : index
    %get3A_88 = arith.constant 0 : index
    %get3A_89 = vector.load %arg4[%get3A_87, %get3A_88] : memref<1x1xf32, #tpu.memory_space<vmem>>, vector<1x1xf32>
    %add3A_90 = arith.addf %get3A_89, %reshape3A : vector<1x1xf32>
    %swap3A_91 = arith.constant 0 : index
    %swap3A_92 = arith.constant 0 : index
    %swap3A_93 = vector.load %arg4[%swap3A_91, %swap3A_92] : memref<1x1xf32, #tpu.memory_space<vmem>>, vector<1x1xf32>
    tpu.vector_store %arg4[%swap3A_91, %swap3A_92], %add3A_90 {strides = array<i32>} : memref<1x1xf32, #tpu.memory_space<vmem>>, vector<1x1xf32>,
    return
  }
  func.func @transform_0(%arg0: i32) -> (i32, i32, i32) {
    %jit3A = arith.constant 4 : i32
    %div3A = arith.divsi %arg0, %jit3A : i32
    %sign3A = arith.constant 0 : i32
    %sign3A_0 = arith.cmpi sgt, %arg0, %sign3A : i32
    %sign3A_1 = arith.extui %sign3A_0 : i1 to i32
    %sign3A_2 = arith.constant 0 : i32
    %sign3A_3 = arith.cmpi slt, %arg0, %sign3A_2 : i32
    %sign3A_4 = arith.extui %sign3A_3 : i1 to i32
    %sign3A_5 = arith.subi %sign3A_1, %sign3A_4 : i32
    %sign3A_6 = arith.constant 0 : i32
    %sign3A_7 = arith.cmpi sgt, %jit3A, %sign3A_6 : i32
    %sign3A_8 = arith.extui %sign3A_7 : i1 to i32
    %sign3A_9 = arith.constant 0 : i32
    %sign3A_10 = arith.cmpi slt, %jit3A, %sign3A_9 : i32
    %sign3A_11 = arith.extui %sign3A_10 : i1 to i32
    %sign3A_12 = arith.subi %sign3A_8, %sign3A_11 : i32
    %ne3A = arith.cmpi ne, %sign3A_5, %sign3A_12 : i32
    %rem3A = arith.remsi %arg0, %jit3A : i32
    %ne3A_13 = arith.constant 0 : i32
    %ne3A_14 = arith.cmpi ne, %rem3A, %ne3A_13 : i32
    %and3A = arith.andi %ne3A, %ne3A_14 : i1
    %sub3A = arith.constant 1 : i32
    %sub3A_15 = arith.subi %div3A, %sub3A : i32
    %select_n3A = arith.select %and3A, %sub3A_15, %div3A : i32
    %jit3A_16 = arith.constant 4 : i32
    %eq3A = arith.constant 0 : i32
    %eq3A_17 = arith.cmpi eq, %jit3A_16, %eq3A : i32
    %jit3A_18 = arith.constant 1 : i32
    %select_n3A_19 = arith.select %eq3A_17, %jit3A_18, %jit3A_16 : i32
    %rem3A_20 = arith.remsi %arg0, %select_n3A_19 : i32
    %ne3A_21 = arith.constant 0 : i32
    %ne3A_22 = arith.cmpi ne, %rem3A_20, %ne3A_21 : i32
    %lt3A = arith.constant 0 : i32
    %lt3A_23 = arith.cmpi slt, %rem3A_20, %lt3A : i32
    %lt3A_24 = arith.constant 0 : i32
    %lt3A_25 = arith.cmpi slt, %select_n3A_19, %lt3A_24 : i32
    %ne3A_26 = arith.xori %lt3A_23, %lt3A_25 : i1
    %and3A_27 = arith.andi %ne3A_26, %ne3A_22 : i1
    %add3A = arith.addi %rem3A_20, %select_n3A_19 : i32
    %select_n3A_28 = arith.select %and3A_27, %add3A, %rem3A_20 : i32
    %c0_i32 = arith.constant 0 : i32
    %c0_i32_29 = arith.constant 0 : i32
    return %select_n3A, %c0_i32, %select_n3A_28 : i32, i32, i32
  }
  func.func @transform_1(%arg0: i32) -> (i32, i32) {
    %c0_i32 = arith.constant 0 : i32
    %c0_i32_0 = arith.constant 0 : i32
    %c0_i32_1 = arith.constant 0 : i32
    return %c0_i32, %c0_i32_0 : i32, i32
  }
  func.func @transform_2(%arg0: i32) -> (i32, i32, i32) {
    %c0_i32 = arith.constant 0 : i32
    %c0_i32_0 = arith.constant 0 : i32
    %c0_i32_1 = arith.constant 0 : i32
    return %arg0, %c0_i32, %c0_i32_0 : i32, i32, i32
  }
  func.func @transform_3(%arg0: i32) -> (i32, i32) {
    %c0_i32 = arith.constant 0 : i32
    %c0_i32_0 = arith.constant 0 : i32
    %c0_i32_1 = arith.constant 0 : i32
    return %c0_i32, %c0_i32_0 : i32, i32
  }
}

</mosaic_0001>

<sc_bundles>
// kernel: kernel.4.cloned.1.call-start
scs
__scs_entry_jumppad:
0x0: {  	(pc) =	sbr.rel $0x88, $3  }
0x1: {  	(tag) =	ssettag $0x0;
	lr =	simm.s32 $0x1  }
0x2: {  	[smem:$0x3F9F] =	sst lr;
	_ =	strace $0xD0000000  }
0x3: {  	_ = 	snop  }
0x4: {  	_ = 	snop  }
0x5: {  	_ = 	snop  }
0x6: {  	_ = 	snop  }
0x7: {  	_ = 	snop  }
__scs_overlays_trampoline_lowered:
0x8: {  	[smem:$0x3FAE] =	sst s0  }
0x9: {  	[smem:$0x3FAF] =	sst s1  }
0xa: {  	[smem:$0x3FB0] =	sst s2  }
0xb: {  	[smem:$0x3FB1] =	sst s3  }
0xc: {  	[smem:$0x3FB2] =	sst s4  }
0xd: {  	[smem:$0x3FB3] =	sst s5  }
0xe: {  	[smem:$0x3FB4] =	sst s6  }
0xf: {  	[smem:$0x3FB5] =	sst s7  }
0x10: {  	[smem:$0x3FB6] =	sst s8  }
0x11: {  	[smem:$0x3FB7] =	sst s9;
	s0 =	simm.s32 @!p0 $0x0  }
0x12: {  	s1 =	sld [smem:$0x3F9D];
	s0 =	simm.s32 @p0 $0x1  }
0x13: {  	[smem:$0x3FB8] =	sst s0;
	s0 =	simm.s32 @!p1 $0x0  }
0x14: {  	s2 =	sld [smem:$0x3F9C];
	s0 =	simm.s32 @p1 $0x1  }
0x15: {  	[smem:$0x3FB9] =	sst s0;
	s0 =	simm.s32 @!p2 $0x0  }
0x16: {  	s3 =	sld [smem:$0x3FDB];
	s0 =	simm.s32 @p2 $0x1  }
0x17: {  	s4 =	simm.s32 $0x1BF5;
	[smem:$0x3FBB] =	sst s0  }
0x18: {  	s0 =	sld [smem:$0x3F9E];
	_ =	swait.ge [sflag:s4], $0x0  }
0x19: {  	s7 =	sld [smem:$0x3F9F]  }
0x1a: {  	s8 =	sadd.s32 $0xFFFFE003, lr  }
0x1b: {  	s9 =	sadd.s32 $0xFFFFFEF7, lr;
	s5 =	simm.s32 $0xFFFFFFFF;
	p2 =	slt.u32 s8, $0xFFFFF086  }
0x1c: {  	p1 =	slt.u32 s9, $0xF7A;
	s5 =	simm.s32 @!p2 $0x0  }
0x1d: {  	s5 =	simm.s32 @p1 $0x1;
	p0 =	seq.s32 s7, s2  }
0x1e: {  	s7 =	smul.u32 @!p0 $0xF7A, s2;
	p2 =	seq.s32 @!p0 s5, $0x0  }
0x1f: {  	s9 =	smul.u32 $0xF7A, s1;
	s8 =	simm.s32 @!p0 $0x1BF5;
	p2 =	por !p2, p0  }
0x20: {  	[sflag:s8] =	ssyncset.s32 @!p0 $0xFFFFF086;
	s6 =	sadd.s32 @!p0 s3, s7;
	s7 =	simm.s32 @!p0 $0x108  }
0x21: {  	s3 =	sadd.s32 s3, s9;
	s6 =	sadd.s32 @!p0 $0x88, s6;
	s7 =	simm.s32 @p2 $0x1082  }
0x22: {  	[simem:s7], [sflag:s8] =	dma.local @!p0 [hbm:s6], $0xF7A  }
0x23: {  	s9 =	sor.u32 $0xD0000000, s2;
	s6 =	simm.s32 $0x108;
	_ =	swait.ge @!p0 [sflag:s8], $0x0  }
0x24: {  	s3 =	sadd.s32 $0x88, s3;
	s6 =	simm.s32 @!p1 $0x1082;
	[sflag:s4] =	ssyncset.s32 $0xFFFFF086  }
0x25: {  	[simem:s6], [sflag:s4] =	dma.local [hbm:s3], $0xF7A  }
0x26: {  	[smem:$0x3F9F] =	sst s1;
	(tag) =	ssettag s2;
	_ =	strace s9  }
0x27: {  	s1 =	sld [smem:$0x3FAF]  }
0x28: {  	s2 =	sld [smem:$0x3FB0]  }
0x29: {  	s4 =	sld [smem:$0x3FB2]  }
0x2a: {  	p0 =	seq.s32 s5, $0x0;
	s5 =	sld [smem:$0x3FB3]  }
0x2b: {  	s6 =	sld [smem:$0x3FB4]  }
0x2c: {  	s7 =	sld [smem:$0x3FB5]  }
0x2d: {  	s3 =	simm.s32 $0x108;
	s8 =	sld [smem:$0x3FB6]  }
0x2e: {  	s3 =	simm.s32 @!p0 $0x1082;
	s9 =	sld [smem:$0x3FB7]  }
0x2f: {  	lr =	sadd.s32 s0, s3;
	s0 =	sld [smem:$0x3FAE]  }
0x30: {  	s3 =	sld [smem:$0x3FB1]  }
0x31: {  	[smem:$0x3FBA] =	sst s10  }
0x32: {  	s10 =	sld [smem:$0x3FB8];
	_ =	sdelay $0x3  }
0x33: {  	p0 =	seq.s32 s10, $0x1;
	s10 =	sld [smem:$0x3FBA];
	_ =	sdelay $0x3  }
0x34: {  	[smem:$0x3FBA] =	sst s10  }
0x35: {  	s10 =	sld [smem:$0x3FB9];
	_ =	sdelay $0x3  }
0x36: {  	p1 =	seq.s32 s10, $0x1;
	s10 =	sld [smem:$0x3FBA];
	_ =	sdelay $0x3  }
0x37: {  	[smem:$0x3FBA] =	sst s10  }
0x38: {  	s10 =	sld [smem:$0x3FBB]  }
0x39: {  	_ = 	snop;
	(pc) =	sbr.ind lr, $3  }
0x3a: {  	_ = 	snop  }
0x3b: {  	_ = 	snop  }
0x3c: {  	p2 =	seq.s32 s10, $0x1;
	s10 =	sld [smem:$0x3FBA]  }
0x3d: {  	_ =	shalt  }
0x3e: {  	_ =	shalt  }
0x3f: {  	_ =	shalt  }
0x40: {  	_ =	shalt  }
0x41: {  	_ =	shalt  }
0x42: {  	_ =	shalt  }
0x43: {  	_ =	shalt  }
0x44: {  	_ =	shalt  }
0x45: {  	_ =	shalt  }
0x46: {  	_ =	shalt  }
0x47: {  	_ =	shalt  }
0x48: {  	_ =	shalt  }
0x49: {  	_ =	shalt  }
0x4a: {  	_ =	shalt  }
0x4b: {  	_ =	shalt  }
0x4c: {  	_ =	shalt  }
0x4d: {  	_ =	shalt  }
0x4e: {  	_ =	shalt  }
0x4f: {  	_ =	shalt  }
0x50: {  	_ =	shalt  }
0x51: {  	_ =	shalt  }
0x52: {  	_ =	shalt  }
0x53: {  	_ =	shalt  }
0x54: {  	_ =	shalt  }
0x55: {  	_ =	shalt  }
0x56: {  	_ =	shalt  }
0x57: {  	_ =	shalt  }
0x58: {  	_ =	shalt  }
0x59: {  	_ =	shalt  }
0x5a: {  	_ =	shalt  }
0x5b: {  	_ =	shalt  }
0x5c: {  	_ =	shalt  }
0x5d: {  	_ =	shalt  }
0x5e: {  	_ =	shalt  }
0x5f: {  	_ =	shalt  }
0x60: {  	_ =	shalt  }
0x61: {  	_ =	shalt  }
0x62: {  	_ =	shalt  }
0x63: {  	_ =	shalt  }
0x64: {  	_ =	shalt  }
0x65: {  	_ =	shalt  }
0x66: {  	_ =	shalt  }
0x67: {  	_ =	shalt  }
0x68: {  	_ =	shalt  }
0x69: {  	_ =	shalt  }
0x6a: {  	_ =	shalt  }
0x6b: {  	_ =	shalt  }
0x6c: {  	_ =	shalt  }
0x6d: {  	_ =	shalt  }
0x6e: {  	_ =	shalt  }
0x6f: {  	_ =	shalt  }
0x70: {  	_ =	shalt  }
0x71: {  	_ =	shalt  }
0x72: {  	_ =	shalt  }
0x73: {  	_ =	shalt  }
0x74: {  	_ =	shalt  }
0x75: {  	_ =	shalt  }
0x76: {  	_ =	shalt  }
0x77: {  	_ =	shalt  }
0x78: {  	_ =	shalt  }
0x79: {  	_ =	shalt  }
0x7a: {  	_ =	shalt  }
0x7b: {  	_ =	shalt  }
0x7c: {  	_ =	shalt  }
0x7d: {  	_ =	shalt  }
0x7e: {  	_ =	shalt  }
0x7f: {  	_ =	shalt  }
0x80: {  	_ =	shalt  }
0x81: {  	_ =	shalt  }
0x82: {  	_ =	shalt  }
0x83: {  	_ =	shalt  }
0x84: {  	_ =	shalt  }
0x85: {  	_ =	shalt  }
0x86: {  	_ =	shalt  }
0x87: {  	_ =	shalt  }
.Lfunc_end0:
.L_simem_size_0:
called_computation_lowered:
.L_overlay_start_0:
0x88: {  	s2 =	sld [smem:$0x3FD9]  }
0x89: {  	s3 =	sld [smem:$0x3FFE];
	_ =	sdelay $0x1  }
0x8a: {  	s1 =	srdreg.scid  }
0x8b: {  	s0 =	sand.u32 $0x1, s1  }
0x8c: {  	s14 =	sshll.u32 s0, $0xA;
	s2 =	sadd.s32 s3, s2  }
0x8d: {  	s2 =	sadd.s32 s2, s14  }
0x8e: {  	[smem:$0x3FC6] =	sst s2  }
0x8f: {  	_ = 	snop  }
0x90: {  	s2 =	sld [smem:$0x3FD0];
	_ =	sdelay $0x2  }
0x91: {  	s15 =	simm.s32 $0xA;
	s4 =	simm.s32 $0x10  }
0x92: {  	[smem:s4], [sflag:s15] =	dma.local [hbm:s2], $0x1  }
0x93: {  	_ =	swait.eq [sflag:s15], $0x1  }
0x94: {  	[sflag:s15] =	ssyncset.done $0x0  }
0x95: {  	[sflag:s15] =	ssyncadd.s32 $0xFFFFFFFF  }
0x96: {  	s16 =	sld [smem:$0x10];
	(tm) =	ssettm $0x1  }
0x97: {  	s17 =	sld [smem:$0x3FFB];
	_ =	sdelay $0x3  }
0x98: {  	_ =	strace s17  }
0x99: {  	s3 =	sld [smem:$0x3FFC];
	_ =	sdelay $0x3  }
0x9a: {  	_ =	strace s3  }
0x9b: {  	s3 =	sld [smem:$0x3FFD];
	_ =	sdelay $0x3  }
0x9c: {  	_ =	strace s3  }
0x9d: {  	_ =	strace $0x8FFFFFFF  }
0x9e: {  	s18 =	sld [smem:$0x3FDB];
	_ =	sdelay $0x1  }
0x9f: {  	s19 =	simm.s32 $_scs_section_size  }
0xa0: {  	s5 =	simm.s32 $_size__tile_overlayer_lowered;
	s6 =	simm.s32 $_tile_overlayer_lowered  }
0xa1: {  	s22 =	simm.s32 $0x1BFF;
	s21 =	sshll.u32 s6, $0x1;
	s3 =	sadd.s32 s19, s18  }
0xa2: {  	s7 =	simm.s32 $0x0;
	s20 =	sshll.u32 s5, $0x1;
	s5 =	sadd.s32 s21, s3  }
0xa3: {  	[timem:s7], [sflag:s22] =	dma.local [hbm:s5], s20  }
0xa4: {  	_ =	swait.ge [sflag:s22], s20  }
0xa5: {  	s4 =	ssub.s32 $0x0, s20;
	[sflag:s22] =	ssyncset.done $0x0  }
0xa6: {  	[sflag:s22] =	ssyncadd.s32 s4;
	_ =	sdelay $0x1  }
0xa7: {  	s23 =	simm.s32 $0x1B8B  }
0xa8: {  	_ =	swait.ge [sflag:s23], $0x1  }
0xa9: {  	[sflag:s23] =	ssyncset.done $0x0  }
0xaa: {  	s25 =	simm.s32 $0x1B8E;
	s24 =	sld [smem:$0x3FFE];
	[sflag:s23] =	ssyncadd.s32 $0xFFFFFFFF  }
0xab: {  	s26 =	simm.s32 $execute0_lowered;
	[smem:$0x3FD2] =	sst s25  }
0xac: {  	s5 =	sshll.u32 s26, $0x1;
	_ =	strace $0x80000046;
	[dreg:$0x1] =	wrdreg $0xFFFFFFFF  }
0xad: {  	s28 =	simm.s32 $_size_execute0_lowered;
	s3 =	sadd.s32 s3, s5;
	[dreg:$0x0] =	wrdreg $0x0  }
0xae: {  	s5 =	sshll.u32 s28, $0x1;
	[dreg:$0x2] =	wrdreg s3  }
0xaf: {  	[dreg:$0x3] =	wrdreg s5  }
0xb0: {  	[dreg:$0x4] =	wrdreg $0xC0  }
0xb1: {  	_ =	task [dreg:s7], $0x5FFFF  }
0xb2: {  	[dreg:$0x1] =	wrdreg $0xFFFFFFFF  }
0xb3: {  	[dreg:$0x0] =	wrdreg $0x60  }
0xb4: {  	[dreg:$0x2] =	wrdreg s24  }
0xb5: {  	[dreg:$0x3] =	wrdreg s16  }
0xb6: {  	[dreg:$0x4] =	wrdreg $0x9  }
0xb7: {  	_ =	task.clear_ibuf [dreg:s7], $0x5FFFF;
	_ =	strace $0x90000046  }
0xb8: {  	s29 =	simm.s32 $0x9;
	_ =	strace $0x80000048  }
0xb9: {  	_ =	swait.ge [sflag:s29], $0x1  }
0xba: {  	[sflag:s29] =	ssyncadd.s32 $0xFFFFFFFF  }
0xbb: {  	_ =	strace $0x90000048  }
0xbc: {  	_ =	sfence  }
0xbd: {  	s30 =	sld [smem:$0x0];
	_ =	sdelay $0x2  }
0xbe: {  	s31 =	sshll.u32 s1, $0xD;
	s1 =	sshrl.u32 s1, $0x2  }
0xbf: {  	s3 =	sand.u32 $0x4000, s31;
	s1 =	sadd.s32 s1, s30  }
0xc0: {  	s0 =	sor.u32 s3, s0;
	s1 =	sshll.u32 s1, $0x11  }
0xc1: {  	s0 =	sor.u32 s1, s0  }
0xc2: {  	s0 =	sadd.s32 $0x8F2B, s0  }
0xc3: {  	[sflag:s0] =	ssyncadd.remote.s32 $0x1  }
0xc4: {  	_ =	sfence.sel $0xFFFF  }
0xc5: {  	[dreg:$0x0] =	wrdreg $0xFFFFFFFF;
	(pc) =	sbr.abs _section_cstart, $3  }
0xc6: {  	[dreg:$0x1] =	wrdreg $0xFFFFFFFF  }
0xc7: {  	_ =	task.clear_ibuf [dreg:s7], $0x2FFFF;
	_ =	strace $0x9FFFFFFF  }
0xc8: {  	(tm) =	ssettm $0x7FFFFFFF  }
0xc9: {  	_ =	shalt  }
tec
execute0_lowered:
.L_overlay_start_1:
0x0: {  	(tag) =	ssettag $0x1  }
0x1: {  	s1 =	srdreg.scid  }
0x2: {  	s0 =	stileid.u32;
	s6 =	sand.u32 $0x1, s1  }
0x3: {  	s5 =	rddreg [dreg:$0x0];
	s30 =	sshll.u32 s0, $0xA;
	s2 =	sshll.u32 s6, $0x9  }
0x4: {  	s8 =	rddreg [dreg:$0x1];
	s9 =	sor.u32 s2, s30  }
0x5: {  	s1 =	rddreg [dreg:$0x2];
	s2 =	simm.s32 $0x0;
	s3 =	sshrl.u32 s9, $0x3  }
0x6: {  	s10 =	ssub.s32 $0x2, s6;
	[smem:$0x7FF] =	sst s2;
	s3 =	sadd.s32 s3, s5  }
0x7: {  	_ =	strace $0x80000047;
	s4 =	sadd.s32 $0x8800, s3;
	s3 =	simm.s32 $0x2  }
0x8: {  	[tilespmem:s2], [sflag:$0x2] =	stream.linear.gather [hbm4b:s4+s2], $0x200, $0x38;
	[tilespmem:$0x4200] =	vst v63  }
0x9: {  	s7 =	simm.s32 $0x1;
	s11 =	sshrl.u32 s10, $0x1;
	_ =	swait.ge [sflag:s3], $0x200  }
0xa: {  	s6 =	simm.s32 $0x200;
	s10 =	ssub.s32 s10, s11;
	[sflag:s3] =	ssyncset.done $0x0  }
0xb: {  	s5 =	sadd.s32 $0x800, s5;
	s31 =	smax.u32 s10, $0x1;
	[sflag:s3] =	ssyncadd.s32 $0xFFFFFE00  }
0xc: {  	[tilespmem:s6], [sflag:$0x1] =	stream.indirect.gather [hbm4b:s5+s6], $0x20, s2, s6, $0xb8;
	[tilespmem:$0x4200] =	vst v63  }
0xd: {  	p0 =	sne.s32 s31, $0x1;
	_ =	swait.ge [sflag:s7], $0x4000  }
.Ltmp0:
0xe: {  	s9 =	sshll.u32 s9, $0x2;
	[sflag:s7] =	ssyncset.done $0x0;
	(pc) =	sbr.rel @!p0 .LBB2_2-.Ltmp0, $4  }
0xf: {  	s8 =	sadd.s32 s8, s9;
	[sflag:s7] =	ssyncadd.s32 $0xFFFFC000  }
0x10: {  	[hbm4b:s8+s2] =	stream.linear.scatter [tilespmem:s6], [sflag:$0x2], $0x4000, $0x38;
	[tilespmem:$0x4200] =	vst v63  }
0x11: {  	_ =	swait.ge [sflag:s3], $0x4000  }
0x12: {  	s9 =	sadd.s32 $0xFFFFFFFF, s31;
	[sflag:s3] =	ssyncset.done $0x0  }
.LBB2_1:
0x13: {  	p0 =	sne.s32 s9, $0x1;
	s9 =	sadd.s32 $0xFFFFFFFF, s9;
	[sflag:s3] =	ssyncadd.s32 $0xFFFFC000  }
0x14: {  	[tilespmem:s2], [sflag:$0x2] =	stream.linear.gather [hbm4b:s4+s2], $0x200, $0x38;
	[tilespmem:$0x4200] =	vst v63  }
0x15: {  	_ =	swait.ge [sflag:s3], $0x200  }
0x16: {  	[sflag:s3] =	ssyncset.done $0x0  }
0x17: {  	[sflag:s3] =	ssyncadd.s32 $0xFFFFFE00  }
0x18: {  	[tilespmem:s6], [sflag:$0x1] =	stream.indirect.gather [hbm4b:s5+s6], $0x20, s2, s6, $0xb8;
	[tilespmem:$0x4200] =	vst v63  }
0x19: {  	_ =	swait.ge [sflag:s7], $0x4000  }
.Ltmp1:
0x1a: {  	[sflag:s7] =	ssyncset.done $0x0;
	(pc) =	sbr.rel @p0 .LBB2_1-.Ltmp1, $4  }
0x1b: {  	[sflag:s7] =	ssyncadd.s32 $0xFFFFC000  }
0x1c: {  	[hbm4b:s8+s2] =	stream.linear.scatter [tilespmem:s6], [sflag:$0x2], $0x4000, $0x38;
	[tilespmem:$0x4200] =	vst v63  }
0x1d: {  	_ =	swait.ge [sflag:s3], $0x4000  }
0x1e: {  	[sflag:s3] =	ssyncset.done $0x0  }
.LBB2_2:
0x1f: {  	[sflag:s3] =	ssyncadd.s32 $0xFFFFC000  }
0x20: {  	_ =	sfence.sel $0x180000  }
0x21: {  	[bflag:$0x0] =	sbarrier.arrive $0xFFFF  }
0x22: {  	p0 =	sne.s32 s0, $0x0;
	_ =	strace $0x90000047  }
0x23: {  	s0 =	sadd.s32 @!p0 $0x100000, s1;
	[bflag:$0x2] =	sbarrier.arrive $0xFFFF  }
0x24: {  	[sflag:s0] =	ssyncadd.tile.s32 @!p0 $0x1;
	_ =	shalt  }
.Lfunc_end2:
_tile_overlayer_lowered:
.L_overlay_start_2:
0x25: {  	(tag) =	ssettag $0x2  }
0x26: {  	s0 =	rddreg [dreg:$0x0];
	s2 =	stileid.u32  }
0x27: {  	s1 =	rddreg [dreg:$0x1];
	p0 =	sne.s32 s2, $0x0  }
0x28: {  	s3 =	rddreg [dreg:$0x2];
	[bflag:$0x3] =	sbarrier.arrive $0xFFFF;
	s2 =	simm.s32 @!p0 $0x1C02  }
0x29: {  	[timem:s3], [sflag:s2] =	dma.local @!p0 [hbm:s0], s1  }
0x2a: {  	s0 =	simm.s32 @!p0 $0x2  }
0x2b: {  	_ =	swait.ge @!p0 [sflag:s0], s1  }
0x2c: {  	s1 =	ssub.s32 @!p0 $0x0, s1;
	[sflag:s0] =	ssyncset.done @!p0 $0x0  }
0x2d: {  	[sflag:s0] =	ssyncadd.s32 @!p0 s1  }
0x2e: {  	[bflag:$0x3] =	sbarrier.arrive $0xFFFF  }
0x2f: {  	_ =	shalt  }

</sc_bundles>
